<compile_context>
chip_gen: v7x
topology: tpu7x:2x2x1
jax: 0.10.2.dev20260603
libtpu: 0.0.44.dev20260713+nightly
codegen_flags: <defaults>
</compile_context>

<pallas_src>
import functools

import jax
import jax.numpy as jnp
from jax import lax
from jax.experimental import pallas as pl
from jax.experimental.pallas import tpu as pltpu
from jax.experimental.pallas import tpu_sc as plsc

SIGMA = 9.0
N = 200000
NW = 32
WCHUNK = 3840
SC_N = NW * WCHUNK
BN = 12288
TC_OFF = SC_N // BN
TC_GRID = 7
ROWS = BN // 128


def _smooth_l1(tx, ty, px, py):
    dx = jnp.abs(tx - px)
    dy = jnp.abs(ty - py)
    fx = jnp.where(dx < 1.0 / SIGMA, 0.5 * SIGMA * dx * dx, dx - 0.5 / SIGMA)
    fy = jnp.where(dy < 1.0 / SIGMA, 0.5 * SIGMA * dy * dy, dy - 0.5 / SIGMA)
    return fx + fy


def _sc_partials(xT, tT):
    mesh = plsc.VectorSubcoreMesh(core_axis_name="c", subcore_axis_name="s")

    @functools.partial(
        pl.kernel,
        mesh=mesh,
        compiler_params=pltpu.CompilerParams(needs_layout_passes=False),
        out_type=jax.ShapeDtypeStruct((2, NW, 16), jnp.float32),
        scratch_types=[
            pltpu.VMEM((2, WCHUNK), jnp.float32),
            pltpu.VMEM((WCHUNK,), jnp.float32),
            pltpu.VMEM((WCHUNK,), jnp.float32),
            pltpu.VMEM((WCHUNK,), jnp.float32),
            pltpu.VMEM((16,), jnp.float32),
            pltpu.VMEM((16,), jnp.float32),
            pltpu.SemaphoreType.DMA,
        ],
    )
    def body(x_hbm, t_hbm, part_out,
             xyv, clsv, txv, tyv, acc_v, cntacc_v, sem):
        wid = lax.axis_index("s") * 2 + lax.axis_index("c")
        base = wid * WCHUNK
        cps = [
            pltpu.async_copy(x_hbm.at[0, :, pl.ds(base, WCHUNK)], xyv, sem),
            pltpu.async_copy(t_hbm.at[0, 0, pl.ds(base, WCHUNK)], clsv, sem),
            pltpu.async_copy(t_hbm.at[1, 0, pl.ds(base, WCHUNK)], txv, sem),
            pltpu.async_copy(t_hbm.at[2, 0, pl.ds(base, WCHUNK)], tyv, sem),
        ]
        for c in cps:
            c.wait()

        def step(i, carry):
            acc, cnt = carry
            off = i * 16
            cls = clsv[pl.ds(off, 16)]
            loss = _smooth_l1(txv[pl.ds(off, 16)], tyv[pl.ds(off, 16)],
                              xyv[0, pl.ds(off, 16)], xyv[1, pl.ds(off, 16)])
            return acc + cls * loss, cnt + cls

        zero = jnp.zeros((16,), jnp.float32)
        acc, cnt = lax.fori_loop(0, WCHUNK // 16, step, (zero, zero))
        acc_v[...] = acc
        cntacc_v[...] = cnt
        pltpu.sync_copy(acc_v, part_out.at[0, wid])
        pltpu.sync_copy(cntacc_v, part_out.at[1, wid])

    return body(xT, tT)


def _tc_partials(xT, tT):
    def body(xy, t_r, o_ref):
        i = pl.program_id(0)

        @pl.when(i == 0)
        def _():
            o_ref[0, 0] = jnp.float32(0.0)
            o_ref[0, 1] = jnp.float32(0.0)

        px = xy[0, 0, :].reshape(ROWS, 128)
        py = xy[0, 1, :].reshape(ROWS, 128)
        cls = t_r[0, 0, :].reshape(ROWS, 128)
        tx = t_r[1, 0, :].reshape(ROWS, 128)
        ty = t_r[2, 0, :].reshape(ROWS, 128)
        loss = _smooth_l1(tx, ty, px, py)
        base = SC_N + i * BN
        ridx = (lax.broadcasted_iota(jnp.int32, (ROWS, 128), 0) * 128
                + lax.broadcasted_iota(jnp.int32, (ROWS, 128), 1))
        valid = (base + ridx) < N
        o_ref[0, 0] += jnp.sum(jnp.where(valid, cls * loss, 0.0))
        o_ref[0, 1] += jnp.sum(jnp.where(valid, cls, 0.0))

    return pl.pallas_call(
        body,
        grid=(TC_GRID,),
        in_specs=[
            pl.BlockSpec((1, 2, BN), lambda i: (0, 0, TC_OFF + i)),
            pl.BlockSpec((3, 1, BN), lambda i: (0, 0, TC_OFF + i)),
        ],
        out_specs=pl.BlockSpec((1, 2), lambda i: (0, 0),
                               memory_space=pltpu.SMEM),
        out_shape=jax.ShapeDtypeStruct((1, 2), jnp.float32),
        compiler_params=pltpu.CompilerParams(
            dimension_semantics=("arbitrary",)),
    )(xT, tT)


def _finish(part, tc_part):
    def body(part_ref, tc_ref, o_ref):
        total = jnp.sum(part_ref[0]) + tc_ref[0, 0]
        count = jnp.sum(part_ref[1]) + tc_ref[0, 1]
        o_ref[0, 0] = jnp.where(count > 0.0,
                                total / jnp.maximum(count, 1.0),
                                jnp.float32(0.0))

    return pl.pallas_call(
        body,
        in_specs=[
            pl.BlockSpec((2, NW, 16), lambda: (0, 0, 0)),
            pl.BlockSpec((1, 2), lambda: (0, 0), memory_space=pltpu.SMEM),
        ],
        out_shape=jax.ShapeDtypeStruct((1, 1), jnp.float32),
        out_specs=pl.BlockSpec(memory_space=pltpu.SMEM),
    )(part, tc_part)


def kernel(input, target):
    xT = jnp.transpose(input, (0, 2, 1))
    tT = jnp.transpose(target, (2, 0, 1))
    part = _sc_partials(xT, tT)
    tc_part = _tc_partials(xT, tT)
    return _finish(part, tc_part).reshape(())

# --- scband reference (transcript-rebuilt; emitter-appended) ---
"""Pipeline reference for scband-rpn-regr-loss-2851858285063 (READ-ONLY COPY).

The authoritative reference and input builder live on the scoring server;
editing this copy changes nothing except your own understanding.
"""

import jax, jax.numpy as jnp
import numpy as np

SIGMA = 9.0
N = 200000


def setup_inputs(seed: int = 0) -> dict:
    key = jax.random.key(seed)
    k1, k2 = jax.random.split(key, 2)
    inp = jax.random.normal(k1, (1, N, 2), dtype=jnp.float32)
    target = jax.random.randint(k2, (1, N, 3), 0, 2).astype(jnp.float32)
    return {"input": inp, "target": target}


def reference(input, target):
    # Faithful rewrite of RPN_REGR_Loss.forward. The torch version gathers the
    # positive anchors (cls == 1) with nonzero() and averages the per-anchor
    # smooth-L1 loss over them; here we express the same math with a static-shape
    # boolean mask (masked sum / positive count), which is numerically identical
    # and jit-friendly.
    cls = target[0, :, 0]
    regr = target[0, :, 1:3]
    mask = (cls == 1.0).astype(jnp.float32)          # positive-anchor indicator
    regr_pred = input[0]
    diff = jnp.abs(regr - regr_pred)
    less_one = (diff < 1.0 / SIGMA).astype(jnp.float32)
    loss = less_one * 0.5 * diff ** 2 * SIGMA + jnp.abs(1.0 - less_one) * (diff - 0.5 / SIGMA)
    loss = jnp.sum(loss, axis=1)                     # [N] per-anchor loss
    count = jnp.sum(mask)
    total = jnp.sum(loss * mask)
    # torch returns 0.0 when there are no positive anchors
    return jnp.where(count > 0, total / jnp.maximum(count, 1.0), jnp.float32(0.0))

if __name__ == "__main__":
    import jax
    _d = setup_inputs()
    print(jax.jit(kernel)(*tuple(_d.values())))

</pallas_src>

<mosaic_0001>
#map = affine_map<(d0, d1) -> (0, 0, 0)>
module attributes {stable_mosaic.version = 14 : i64} {
  func.func @body(%arg0: i32, %arg1: i32, %arg2: memref<1x2x200000xf32, #tpu.memory_space<hbm>>, %arg3: memref<3x1x200000xf32, #tpu.memory_space<hbm>>, %arg4: memref<2x32x16xf32, #tpu.memory_space<hbm>>, %arg5: memref<2x3840xf32, #tpu.memory_space<vmem>>, %arg6: memref<3840xf32, #tpu.memory_space<vmem>>, %arg7: memref<3840xf32, #tpu.memory_space<vmem>>, %arg8: memref<3840xf32, #tpu.memory_space<vmem>>, %arg9: memref<16xf32, #tpu.memory_space<vmem>>, %arg10: memref<16xf32, #tpu.memory_space<vmem>>, %arg11: memref<!tpu.dma_semaphore, #tpu.memory_space<semaphore_mem>>) attributes {dimension_semantics = [#tpu.dimension_semantics<core_parallel>, #tpu.dimension_semantics<subcore_parallel>], iteration_bounds = array<i64: 2, 16>, scalar_prefetch = 0 : i64, scratch_operands = 7 : i64, tpu.core_type = #tpu.core_type<sc_vector_subcore>, window_params = [{transform_indices = #map}, {transform_indices = #map}, {transform_indices = #map}]} {
    %mul3A = arith.constant 2 : i32
    %mul3A_0 = arith.muli %arg1, %mul3A : i32
    %add3A = arith.addi %mul3A_0, %arg0 : i32
    %mul3A_1 = arith.constant 3840 : i32
    %mul3A_2 = arith.muli %add3A, %mul3A_1 : i32
    %dma_start3A = arith.constant 0 : i32
    %dma_start3A_3 = arith.constant 0 : i32
    %dma_start3A_4 = tpu.memref_slice %arg2[%dma_start3A, %dma_start3A_3, %mul3A_2] : memref<1x2x200000xf32, #tpu.memory_space<hbm>> -> memref<1x2x3840xf32, #tpu.memory_space<hbm>>
    %dma_start3A_5 = tpu.memref_squeeze %dma_start3A_4 : memref<1x2x3840xf32, #tpu.memory_space<hbm>> -> memref<2x3840xf32, #tpu.memory_space<hbm>>
    %dma_start3A_6 = arith.constant 0 : i32
    %dma_start3A_7 = tpu.memref_slice %arg2[%dma_start3A, %dma_start3A_6, %mul3A_2] : memref<1x2x200000xf32, #tpu.memory_space<hbm>> -> memref<1x2x3840xf32, #tpu.memory_space<hbm>>
    %dma_start3A_8 = tpu.memref_squeeze %dma_start3A_7 : memref<1x2x3840xf32, #tpu.memory_space<hbm>> -> memref<2x3840xf32, #tpu.memory_space<hbm>>
    tpu.enqueue_dma source(%dma_start3A_8 : memref<2x3840xf32, #tpu.memory_space<hbm>>) target(%arg5 : memref<2x3840xf32, #tpu.memory_space<vmem>>) target_semaphore(%arg11 : memref<!tpu.dma_semaphore, #tpu.memory_space<semaphore_mem>>)
    %dma_start3A_9 = arith.constant 0 : i32
    %dma_start3A_10 = arith.constant 0 : i32
    %dma_start3A_11 = tpu.memref_slice %arg3[%dma_start3A_9, %dma_start3A_10, %mul3A_2] : memref<3x1x200000xf32, #tpu.memory_space<hbm>> -> memref<1x1x3840xf32, #tpu.memory_space<hbm>>
    %dma_start3A_12 = tpu.memref_squeeze %dma_start3A_11 : memref<1x1x3840xf32, #tpu.memory_space<hbm>> -> memref<3840xf32, #tpu.memory_space<hbm>>
    %dma_start3A_13 = tpu.memref_slice %arg3[%dma_start3A_9, %dma_start3A_10, %mul3A_2] : memref<3x1x200000xf32, #tpu.memory_space<hbm>> -> memref<1x1x3840xf32, #tpu.memory_space<hbm>>
    %dma_start3A_14 = tpu.memref_squeeze %dma_start3A_13 : memref<1x1x3840xf32, #tpu.memory_space<hbm>> -> memref<3840xf32, #tpu.memory_space<hbm>>
    tpu.enqueue_dma source(%dma_start3A_14 : memref<3840xf32, #tpu.memory_space<hbm>>) target(%arg6 : memref<3840xf32, #tpu.memory_space<vmem>>) target_semaphore(%arg11 : memref<!tpu.dma_semaphore, #tpu.memory_space<semaphore_mem>>)
    %dma_start3A_15 = arith.constant 1 : i32
    %dma_start3A_16 = arith.constant 0 : i32
    %dma_start3A_17 = tpu.memref_slice %arg3[%dma_start3A_15, %dma_start3A_16, %mul3A_2] : memref<3x1x200000xf32, #tpu.memory_space<hbm>> -> memref<1x1x3840xf32, #tpu.memory_space<hbm>>
    %dma_start3A_18 = tpu.memref_squeeze %dma_start3A_17 : memref<1x1x3840xf32, #tpu.memory_space<hbm>> -> memref<3840xf32, #tpu.memory_space<hbm>>
    %dma_start3A_19 = tpu.memref_slice %arg3[%dma_start3A_15, %dma_start3A_16, %mul3A_2] : memref<3x1x200000xf32, #tpu.memory_space<hbm>> -> memref<1x1x3840xf32, #tpu.memory_space<hbm>>
    %dma_start3A_20 = tpu.memref_squeeze %dma_start3A_19 : memref<1x1x3840xf32, #tpu.memory_space<hbm>> -> memref<3840xf32, #tpu.memory_space<hbm>>
    tpu.enqueue_dma source(%dma_start3A_20 : memref<3840xf32, #tpu.memory_space<hbm>>) target(%arg7 : memref<3840xf32, #tpu.memory_space<vmem>>) target_semaphore(%arg11 : memref<!tpu.dma_semaphore, #tpu.memory_space<semaphore_mem>>)
    %dma_start3A_21 = arith.constant 2 : i32
    %dma_start3A_22 = arith.constant 0 : i32
    %dma_start3A_23 = tpu.memref_slice %arg3[%dma_start3A_21, %dma_start3A_22, %mul3A_2] : memref<3x1x200000xf32, #tpu.memory_space<hbm>> -> memref<1x1x3840xf32, #tpu.memory_space<hbm>>
    %dma_start3A_24 = tpu.memref_squeeze %dma_start3A_23 : memref<1x1x3840xf32, #tpu.memory_space<hbm>> -> memref<3840xf32, #tpu.memory_space<hbm>>
    %dma_start3A_25 = tpu.memref_slice %arg3[%dma_start3A_21, %dma_start3A_22, %mul3A_2] : memref<3x1x200000xf32, #tpu.memory_space<hbm>> -> memref<1x1x3840xf32, #tpu.memory_space<hbm>>
    %dma_start3A_26 = tpu.memref_squeeze %dma_start3A_25 : memref<1x1x3840xf32, #tpu.memory_space<hbm>> -> memref<3840xf32, #tpu.memory_space<hbm>>
    tpu.enqueue_dma source(%dma_start3A_26 : memref<3840xf32, #tpu.memory_space<hbm>>) target(%arg8 : memref<3840xf32, #tpu.memory_space<vmem>>) target_semaphore(%arg11 : memref<!tpu.dma_semaphore, #tpu.memory_space<semaphore_mem>>)
    %dma_wait3A = arith.constant 0 : i32
    %dma_wait3A_27 = arith.constant 0 : i32
    %dma_wait3A_28 = tpu.memref_slice %arg2[%dma_wait3A, %dma_wait3A_27, %mul3A_2] : memref<1x2x200000xf32, #tpu.memory_space<hbm>> -> memref<1x2x3840xf32, #tpu.memory_space<hbm>>
    %dma_wait3A_29 = tpu.memref_squeeze %dma_wait3A_28 : memref<1x2x3840xf32, #tpu.memory_space<hbm>> -> memref<2x3840xf32, #tpu.memory_space<hbm>>
    %dma_wait3A_30 = arith.constant 0 : i32
    %dma_wait3A_31 = tpu.memref_slice %arg2[%dma_wait3A, %dma_wait3A_30, %mul3A_2] : memref<1x2x200000xf32, #tpu.memory_space<hbm>> -> memref<1x2x3840xf32, #tpu.memory_space<hbm>>
    %dma_wait3A_32 = tpu.memref_squeeze %dma_wait3A_31 : memref<1x2x3840xf32, #tpu.memory_space<hbm>> -> memref<2x3840xf32, #tpu.memory_space<hbm>>
    tpu.wait_dma2 semaphore(%arg11 : memref<!tpu.dma_semaphore, #tpu.memory_space<semaphore_mem>>) src(%dma_wait3A_32 : memref<2x3840xf32, #tpu.memory_space<hbm>>) dst(%arg5 : memref<2x3840xf32, #tpu.memory_space<vmem>>)
    %dma_wait3A_33 = arith.constant 0 : i32
    %dma_wait3A_34 = arith.constant 0 : i32
    %dma_wait3A_35 = tpu.memref_slice %arg3[%dma_wait3A_33, %dma_wait3A_34, %mul3A_2] : memref<3x1x200000xf32, #tpu.memory_space<hbm>> -> memref<1x1x3840xf32, #tpu.memory_space<hbm>>
    %dma_wait3A_36 = tpu.memref_squeeze %dma_wait3A_35 : memref<1x1x3840xf32, #tpu.memory_space<hbm>> -> memref<3840xf32, #tpu.memory_space<hbm>>
    %dma_wait3A_37 = tpu.memref_slice %arg3[%dma_wait3A_33, %dma_wait3A_34, %mul3A_2] : memref<3x1x200000xf32, #tpu.memory_space<hbm>> -> memref<1x1x3840xf32, #tpu.memory_space<hbm>>
    %dma_wait3A_38 = tpu.memref_squeeze %dma_wait3A_37 : memref<1x1x3840xf32, #tpu.memory_space<hbm>> -> memref<3840xf32, #tpu.memory_space<hbm>>
    tpu.wait_dma2 semaphore(%arg11 : memref<!tpu.dma_semaphore, #tpu.memory_space<semaphore_mem>>) src(%dma_wait3A_38 : memref<3840xf32, #tpu.memory_space<hbm>>) dst(%arg6 : memref<3840xf32, #tpu.memory_space<vmem>>)
    %dma_wait3A_39 = arith.constant 1 : i32
    %dma_wait3A_40 = arith.constant 0 : i32
    %dma_wait3A_41 = tpu.memref_slice %arg3[%dma_wait3A_39, %dma_wait3A_40, %mul3A_2] : memref<3x1x200000xf32, #tpu.memory_space<hbm>> -> memref<1x1x3840xf32, #tpu.memory_space<hbm>>
    %dma_wait3A_42 = tpu.memref_squeeze %dma_wait3A_41 : memref<1x1x3840xf32, #tpu.memory_space<hbm>> -> memref<3840xf32, #tpu.memory_space<hbm>>
    %dma_wait3A_43 = tpu.memref_slice %arg3[%dma_wait3A_39, %dma_wait3A_40, %mul3A_2] : memref<3x1x200000xf32, #tpu.memory_space<hbm>> -> memref<1x1x3840xf32, #tpu.memory_space<hbm>>
    %dma_wait3A_44 = tpu.memref_squeeze %dma_wait3A_43 : memref<1x1x3840xf32, #tpu.memory_space<hbm>> -> memref<3840xf32, #tpu.memory_space<hbm>>
    tpu.wait_dma2 semaphore(%arg11 : memref<!tpu.dma_semaphore, #tpu.memory_space<semaphore_mem>>) src(%dma_wait3A_44 : memref<3840xf32, #tpu.memory_space<hbm>>) dst(%arg7 : memref<3840xf32, #tpu.memory_space<vmem>>)
    %dma_wait3A_45 = arith.constant 2 : i32
    %dma_wait3A_46 = arith.constant 0 : i32
    %dma_wait3A_47 = tpu.memref_slice %arg3[%dma_wait3A_45, %dma_wait3A_46, %mul3A_2] : memref<3x1x200000xf32, #tpu.memory_space<hbm>> -> memref<1x1x3840xf32, #tpu.memory_space<hbm>>
    %dma_wait3A_48 = tpu.memref_squeeze %dma_wait3A_47 : memref<1x1x3840xf32, #tpu.memory_space<hbm>> -> memref<3840xf32, #tpu.memory_space<hbm>>
    %dma_wait3A_49 = tpu.memref_slice %arg3[%dma_wait3A_45, %dma_wait3A_46, %mul3A_2] : memref<3x1x200000xf32, #tpu.memory_space<hbm>> -> memref<1x1x3840xf32, #tpu.memory_space<hbm>>
    %dma_wait3A_50 = tpu.memref_squeeze %dma_wait3A_49 : memref<1x1x3840xf32, #tpu.memory_space<hbm>> -> memref<3840xf32, #tpu.memory_space<hbm>>
    tpu.wait_dma2 semaphore(%arg11 : memref<!tpu.dma_semaphore, #tpu.memory_space<semaphore_mem>>) src(%dma_wait3A_50 : memref<3840xf32, #tpu.memory_space<hbm>>) dst(%arg8 : memref<3840xf32, #tpu.memory_space<vmem>>)
    %broadcast_in_dim3A = arith.constant 0.000000e+00 : f32
    %broadcast_in_dim3A_51 = vector.broadcast %broadcast_in_dim3A : f32 to vector<16xf32>
    %scan3A = arith.constant 0 : i32
    %scan3A_52 = arith.constant 240 : i32
    %scan3A_53 = arith.addi %scan3A, %scan3A_52 : i32
    %scan3A_54 = arith.constant 1 : i32
    %scan3A_55:2 = scf.for %scan3A_61 = %scan3A to %scan3A_53 step %scan3A_54 iter_args(%scan3A_62 = %broadcast_in_dim3A_51, %scan3A_63 = %broadcast_in_dim3A_51) -> (vector<16xf32>, vector<16xf32>)  : i32 {
      %mul3A_64 = arith.constant 16 : i32
      %mul3A_65 = arith.muli %scan3A_61, %mul3A_64 : i32
      %get3A = arith.index_cast %mul3A_65 : i32 to index
      %get3A_66 = tpu.vector_load %arg6[%get3A] {strides = array<i32>} : memref<3840xf32, #tpu.memory_space<vmem>>, vector<16xf32>,
      %get3A_67 = arith.index_cast %mul3A_65 : i32 to index
      %get3A_68 = tpu.vector_load %arg7[%get3A_67] {strides = array<i32>} : memref<3840xf32, #tpu.memory_space<vmem>>, vector<16xf32>,
      %get3A_69 = arith.index_cast %mul3A_65 : i32 to index
      %get3A_70 = tpu.vector_load %arg8[%get3A_69] {strides = array<i32>} : memref<3840xf32, #tpu.memory_space<vmem>>, vector<16xf32>,
      %get3A_71 = arith.constant 0 : i32
      %get3A_72 = arith.index_cast %get3A_71 : i32 to index
      %get3A_73 = arith.index_cast %mul3A_65 : i32 to index
      %get3A_74 = tpu.vector_load %arg5[%get3A_72, %get3A_73] {strides = array<i32>} : memref<2x3840xf32, #tpu.memory_space<vmem>>, vector<16xf32>,
      %get3A_75 = arith.constant 1 : i32
      %get3A_76 = arith.index_cast %get3A_75 : i32 to index
      %get3A_77 = arith.index_cast %mul3A_65 : i32 to index
      %get3A_78 = tpu.vector_load %arg5[%get3A_76, %get3A_77] {strides = array<i32>} : memref<2x3840xf32, #tpu.memory_space<vmem>>, vector<16xf32>,
      %sub3A = arith.subf %get3A_68, %get3A_74 : vector<16xf32>
      %abs3A = math.absf %sub3A : vector<16xf32>
      %sub3A_79 = arith.subf %get3A_70, %get3A_78 : vector<16xf32>
      %abs3A_80 = math.absf %sub3A_79 : vector<16xf32>
      %lt3A = arith.constant 0.111111112 : f32
      %lt3A_81 = vector.broadcast %lt3A : f32 to vector<16xf32>
      %lt3A_82 = arith.cmpf olt, %abs3A, %lt3A_81 : vector<16xf32>
      %mul3A_83 = arith.constant 4.500000e+00 : f32
      %mul3A_84 = vector.broadcast %mul3A_83 : f32 to vector<16xf32>
      %mul3A_85 = arith.mulf %mul3A_84, %abs3A : vector<16xf32>
      %mul3A_86 = arith.mulf %mul3A_85, %abs3A : vector<16xf32>
      %sub3A_87 = arith.constant 0.055555556 : f32
      %sub3A_88 = vector.broadcast %sub3A_87 : f32 to vector<16xf32>
      %sub3A_89 = arith.subf %abs3A, %sub3A_88 : vector<16xf32>
      %select_n3A = arith.select %lt3A_82, %mul3A_86, %sub3A_89 : vector<16xi1>, vector<16xf32>
      %lt3A_90 = arith.constant 0.111111112 : f32
      %lt3A_91 = vector.broadcast %lt3A_90 : f32 to vector<16xf32>
      %lt3A_92 = arith.cmpf olt, %abs3A_80, %lt3A_91 : vector<16xf32>
      %mul3A_93 = arith.constant 4.500000e+00 : f32
      %mul3A_94 = vector.broadcast %mul3A_93 : f32 to vector<16xf32>
      %mul3A_95 = arith.mulf %mul3A_94, %abs3A_80 : vector<16xf32>
      %mul3A_96 = arith.mulf %mul3A_95, %abs3A_80 : vector<16xf32>
      %sub3A_97 = arith.constant 0.055555556 : f32
      %sub3A_98 = vector.broadcast %sub3A_97 : f32 to vector<16xf32>
      %sub3A_99 = arith.subf %abs3A_80, %sub3A_98 : vector<16xf32>
      %select_n3A_100 = arith.select %lt3A_92, %mul3A_96, %sub3A_99 : vector<16xi1>, vector<16xf32>
      %add3A_101 = arith.addf %select_n3A, %select_n3A_100 : vector<16xf32>
      %mul3A_102 = arith.mulf %get3A_66, %add3A_101 : vector<16xf32>
      %add3A_103 = arith.addf %scan3A_62, %mul3A_102 : vector<16xf32>
      %add3A_104 = arith.addf %scan3A_63, %get3A_66 : vector<16xf32>
      scf.yield %add3A_103, %add3A_104 : vector<16xf32>, vector<16xf32>
    }
    %scan3A_56 = arith.constant 240 : i32
    %swap3A = arith.constant 0 : index
    %swap3A_57 = tpu.vector_load %arg9[%swap3A] {strides = array<i32>} : memref<16xf32, #tpu.memory_space<vmem>>, vector<16xf32>,
    tpu.vector_store %arg9[%swap3A], %scan3A_55#0 {strides = array<i32>} : memref<16xf32, #tpu.memory_space<vmem>>, vector<16xf32>,
    %swap3A_58 = arith.constant 0 : index
    %swap3A_59 = tpu.vector_load %arg10[%swap3A_58] {strides = array<i32>} : memref<16xf32, #tpu.memory_space<vmem>>, vector<16xf32>,
    tpu.vector_store %arg10[%swap3A_58], %scan3A_55#1 {strides = array<i32>} : memref<16xf32, #tpu.memory_space<vmem>>, vector<16xf32>,
    %run_scoped3A = arith.constant 0 : i32
    "tpu.region"() ({
      %run_scoped3A_61 = tpu.sem_alloc : memref<!tpu.dma_semaphore, #tpu.memory_space<semaphore_mem>>
      %dma_start3A_62 = arith.constant 0 : i32
      %dma_start3A_63 = tpu.memref_slice %arg4[%run_scoped3A, %add3A, %dma_start3A_62] : memref<2x32x16xf32, #tpu.memory_space<hbm>> -> memref<1x1x16xf32, #tpu.memory_space<hbm>>
      %dma_start3A_64 = tpu.memref_squeeze %dma_start3A_63 : memref<1x1x16xf32, #tpu.memory_space<hbm>> -> memref<16xf32, #tpu.memory_space<hbm>>
      %dma_start3A_65 = arith.constant 0 : i32
      %dma_start3A_66 = tpu.memref_slice %arg4[%run_scoped3A, %add3A, %dma_start3A_65] : memref<2x32x16xf32, #tpu.memory_space<hbm>> -> memref<1x1x16xf32, #tpu.memory_space<hbm>>
      %dma_start3A_67 = tpu.memref_squeeze %dma_start3A_66 : memref<1x1x16xf32, #tpu.memory_space<hbm>> -> memref<16xf32, #tpu.memory_space<hbm>>
      tpu.enqueue_dma source(%arg9 : memref<16xf32, #tpu.memory_space<vmem>>) target(%dma_start3A_67 : memref<16xf32, #tpu.memory_space<hbm>>) target_semaphore(%run_scoped3A_61 : memref<!tpu.dma_semaphore, #tpu.memory_space<semaphore_mem>>)
      %dma_wait3A_68 = arith.constant 0 : i32
      %dma_wait3A_69 = tpu.memref_slice %arg4[%run_scoped3A, %add3A, %dma_wait3A_68] : memref<2x32x16xf32, #tpu.memory_space<hbm>> -> memref<1x1x16xf32, #tpu.memory_space<hbm>>
      %dma_wait3A_70 = tpu.memref_squeeze %dma_wait3A_69 : memref<1x1x16xf32, #tpu.memory_space<hbm>> -> memref<16xf32, #tpu.memory_space<hbm>>
      %dma_wait3A_71 = arith.constant 0 : i32
      %dma_wait3A_72 = tpu.memref_slice %arg4[%run_scoped3A, %add3A, %dma_wait3A_71] : memref<2x32x16xf32, #tpu.memory_space<hbm>> -> memref<1x1x16xf32, #tpu.memory_space<hbm>>
      %dma_wait3A_73 = tpu.memref_squeeze %dma_wait3A_72 : memref<1x1x16xf32, #tpu.memory_space<hbm>> -> memref<16xf32, #tpu.memory_space<hbm>>
      tpu.wait_dma2 semaphore(%run_scoped3A_61 : memref<!tpu.dma_semaphore, #tpu.memory_space<semaphore_mem>>) src(%arg9 : memref<16xf32, #tpu.memory_space<vmem>>) dst(%dma_wait3A_73 : memref<16xf32, #tpu.memory_space<hbm>>)
      tpu.yield
    }) : () -> ()
    %run_scoped3A_60 = arith.constant 1 : i32
    "tpu.region"() ({
      %run_scoped3A_61 = tpu.sem_alloc : memref<!tpu.dma_semaphore, #tpu.memory_space<semaphore_mem>>
      %dma_start3A_62 = arith.constant 0 : i32
      %dma_start3A_63 = tpu.memref_slice %arg4[%run_scoped3A_60, %add3A, %dma_start3A_62] : memref<2x32x16xf32, #tpu.memory_space<hbm>> -> memref<1x1x16xf32, #tpu.memory_space<hbm>>
      %dma_start3A_64 = tpu.memref_squeeze %dma_start3A_63 : memref<1x1x16xf32, #tpu.memory_space<hbm>> -> memref<16xf32, #tpu.memory_space<hbm>>
      %dma_start3A_65 = arith.constant 0 : i32
      %dma_start3A_66 = tpu.memref_slice %arg4[%run_scoped3A_60, %add3A, %dma_start3A_65] : memref<2x32x16xf32, #tpu.memory_space<hbm>> -> memref<1x1x16xf32, #tpu.memory_space<hbm>>
      %dma_start3A_67 = tpu.memref_squeeze %dma_start3A_66 : memref<1x1x16xf32, #tpu.memory_space<hbm>> -> memref<16xf32, #tpu.memory_space<hbm>>
      tpu.enqueue_dma source(%arg10 : memref<16xf32, #tpu.memory_space<vmem>>) target(%dma_start3A_67 : memref<16xf32, #tpu.memory_space<hbm>>) target_semaphore(%run_scoped3A_61 : memref<!tpu.dma_semaphore, #tpu.memory_space<semaphore_mem>>)
      %dma_wait3A_68 = arith.constant 0 : i32
      %dma_wait3A_69 = tpu.memref_slice %arg4[%run_scoped3A_60, %add3A, %dma_wait3A_68] : memref<2x32x16xf32, #tpu.memory_space<hbm>> -> memref<1x1x16xf32, #tpu.memory_space<hbm>>
      %dma_wait3A_70 = tpu.memref_squeeze %dma_wait3A_69 : memref<1x1x16xf32, #tpu.memory_space<hbm>> -> memref<16xf32, #tpu.memory_space<hbm>>
      %dma_wait3A_71 = arith.constant 0 : i32
      %dma_wait3A_72 = tpu.memref_slice %arg4[%run_scoped3A_60, %add3A, %dma_wait3A_71] : memref<2x32x16xf32, #tpu.memory_space<hbm>> -> memref<1x1x16xf32, #tpu.memory_space<hbm>>
      %dma_wait3A_73 = tpu.memref_squeeze %dma_wait3A_72 : memref<1x1x16xf32, #tpu.memory_space<hbm>> -> memref<16xf32, #tpu.memory_space<hbm>>
      tpu.wait_dma2 semaphore(%run_scoped3A_61 : memref<!tpu.dma_semaphore, #tpu.memory_space<semaphore_mem>>) src(%arg10 : memref<16xf32, #tpu.memory_space<vmem>>) dst(%dma_wait3A_73 : memref<16xf32, #tpu.memory_space<hbm>>)
      tpu.yield
    }) : () -> ()
    return
  }
}

module attributes {stable_mosaic.version = 14 : i64} {
  func.func @body(%arg0: i32, %arg1: memref<1x2x12288xf32, #tpu.memory_space<vmem>>, %arg2: memref<3x1x12288xf32, #tpu.memory_space<vmem>>, %arg3: memref<1x2xf32, #tpu.memory_space<smem>>) attributes {dimension_semantics = [#tpu.dimension_semantics<arbitrary>], iteration_bounds = array<i64: 7>, scalar_prefetch = 0 : i64, scratch_operands = 0 : i64, tpu.core_type = #tpu.core_type<tc>, window_params = [{transform_indices = @transform_0, window_bounds = array<i64: 1, 2, 12288>}, {transform_indices = @transform_1, window_bounds = array<i64: 3, 1, 12288>}, {transform_indices = @transform_2, window_bounds = array<i64: 1, 2>}]} {
    %eq3A = arith.constant 0 : i32
    %eq3A_0 = arith.cmpi eq, %arg0, %eq3A : i32
    %convert_element_type3A = arith.extui %eq3A_0 : i1 to i32
    %cond3A = arith.constant 0 : i32
    %cond3A_1 = arith.cmpi ne, %convert_element_type3A, %cond3A : i32
    scf.if %cond3A_1 {
      %swap3A_92 = arith.constant 0.000000e+00 : f32
      %swap3A_93 = arith.constant 0 : index
      %swap3A_94 = arith.constant 0 : index
      %swap3A_95 = memref.load %arg3[%swap3A_93, %swap3A_94] : memref<1x2xf32, #tpu.memory_space<smem>>
      memref.store %swap3A_92, %arg3[%swap3A_93, %swap3A_94] : memref<1x2xf32, #tpu.memory_space<smem>>
      %swap3A_96 = arith.constant 0.000000e+00 : f32
      %swap3A_97 = arith.constant 0 : index
      %swap3A_98 = arith.constant 1 : index
      %swap3A_99 = memref.load %arg3[%swap3A_97, %swap3A_98] : memref<1x2xf32, #tpu.memory_space<smem>>
      memref.store %swap3A_96, %arg3[%swap3A_97, %swap3A_98] : memref<1x2xf32, #tpu.memory_space<smem>>
    } else {
    }
    %get3A = arith.constant 0 : index
    %get3A_2 = arith.constant 0 : index
    %get3A_3 = arith.constant 0 : index
    %get3A_4 = vector.load %arg1[%get3A, %get3A_2, %get3A_3] : memref<1x2x12288xf32, #tpu.memory_space<vmem>>, vector<1x1x12288xf32>
    %get3A_5 = vector.shape_cast %get3A_4 : vector<1x1x12288xf32> to vector<12288xf32>
    %reshape3A = vector.shape_cast %get3A_5 : vector<12288xf32> to vector<96x128xf32>
    %get3A_6 = arith.constant 0 : index
    %get3A_7 = arith.constant 1 : index
    %get3A_8 = arith.constant 0 : index
    %get3A_9 = vector.load %arg1[%get3A_6, %get3A_7, %get3A_8] : memref<1x2x12288xf32, #tpu.memory_space<vmem>>, vector<1x1x12288xf32>
    %get3A_10 = vector.shape_cast %get3A_9 : vector<1x1x12288xf32> to vector<12288xf32>
    %reshape3A_11 = vector.shape_cast %get3A_10 : vector<12288xf32> to vector<96x128xf32>
    %get3A_12 = arith.constant 0 : index
    %get3A_13 = arith.constant 0 : index
    %get3A_14 = arith.constant 0 : index
    %get3A_15 = vector.load %arg2[%get3A_12, %get3A_13, %get3A_14] : memref<3x1x12288xf32, #tpu.memory_space<vmem>>, vector<1x1x12288xf32>
    %get3A_16 = vector.shape_cast %get3A_15 : vector<1x1x12288xf32> to vector<12288xf32>
    %reshape3A_17 = vector.shape_cast %get3A_16 : vector<12288xf32> to vector<96x128xf32>
    %get3A_18 = arith.constant 1 : index
    %get3A_19 = arith.constant 0 : index
    %get3A_20 = arith.constant 0 : index
    %get3A_21 = vector.load %arg2[%get3A_18, %get3A_19, %get3A_20] : memref<3x1x12288xf32, #tpu.memory_space<vmem>>, vector<1x1x12288xf32>
    %get3A_22 = vector.shape_cast %get3A_21 : vector<1x1x12288xf32> to vector<12288xf32>
    %reshape3A_23 = vector.shape_cast %get3A_22 : vector<12288xf32> to vector<96x128xf32>
    %get3A_24 = arith.constant 2 : index
    %get3A_25 = arith.constant 0 : index
    %get3A_26 = arith.constant 0 : index
    %get3A_27 = vector.load %arg2[%get3A_24, %get3A_25, %get3A_26] : memref<3x1x12288xf32, #tpu.memory_space<vmem>>, vector<1x1x12288xf32>
    %get3A_28 = vector.shape_cast %get3A_27 : vector<1x1x12288xf32> to vector<12288xf32>
    %reshape3A_29 = vector.shape_cast %get3A_28 : vector<12288xf32> to vector<96x128xf32>
    %sub3A = arith.subf %reshape3A_23, %reshape3A : vector<96x128xf32>
    %abs3A = math.absf %sub3A : vector<96x128xf32>
    %sub3A_30 = arith.subf %reshape3A_29, %reshape3A_11 : vector<96x128xf32>
    %abs3A_31 = math.absf %sub3A_30 : vector<96x128xf32>
    %lt3A = arith.constant 0.111111112 : f32
    %lt3A_32 = vector.broadcast %lt3A : f32 to vector<96x128xf32>
    %lt3A_33 = arith.cmpf olt, %abs3A, %lt3A_32 : vector<96x128xf32>
    %mul3A = arith.constant 4.500000e+00 : f32
    %mul3A_34 = vector.broadcast %mul3A : f32 to vector<96x128xf32>
    %mul3A_35 = arith.mulf %mul3A_34, %abs3A : vector<96x128xf32>
    %mul3A_36 = arith.mulf %mul3A_35, %abs3A : vector<96x128xf32>
    %sub3A_37 = arith.constant 0.055555556 : f32
    %sub3A_38 = vector.broadcast %sub3A_37 : f32 to vector<96x128xf32>
    %sub3A_39 = arith.subf %abs3A, %sub3A_38 : vector<96x128xf32>
    %select_n3A = arith.select %lt3A_33, %mul3A_36, %sub3A_39 : vector<96x128xi1>, vector<96x128xf32>
    %lt3A_40 = arith.constant 0.111111112 : f32
    %lt3A_41 = vector.broadcast %lt3A_40 : f32 to vector<96x128xf32>
    %lt3A_42 = arith.cmpf olt, %abs3A_31, %lt3A_41 : vector<96x128xf32>
    %mul3A_43 = arith.constant 4.500000e+00 : f32
    %mul3A_44 = vector.broadcast %mul3A_43 : f32 to vector<96x128xf32>
    %mul3A_45 = arith.mulf %mul3A_44, %abs3A_31 : vector<96x128xf32>
    %mul3A_46 = arith.mulf %mul3A_45, %abs3A_31 : vector<96x128xf32>
    %sub3A_47 = arith.constant 0.055555556 : f32
    %sub3A_48 = vector.broadcast %sub3A_47 : f32 to vector<96x128xf32>
    %sub3A_49 = arith.subf %abs3A_31, %sub3A_48 : vector<96x128xf32>
    %select_n3A_50 = arith.select %lt3A_42, %mul3A_46, %sub3A_49 : vector<96x128xi1>, vector<96x128xf32>
    %add3A = arith.addf %select_n3A, %select_n3A_50 : vector<96x128xf32>
    %mul3A_51 = arith.constant 12288 : i32
    %mul3A_52 = arith.muli %arg0, %mul3A_51 : i32
    %add3A_53 = arith.constant 122880 : i32
    %add3A_54 = arith.addi %add3A_53, %mul3A_52 : i32
    %iota3A = tpu.iota {dimensions = array<i32: 0>} : vector<96x128xi32>
    %mul3A_55 = arith.constant 128 : i32
    %mul3A_56 = vector.broadcast %mul3A_55 : i32 to vector<96x128xi32>
    %mul3A_57 = arith.muli %iota3A, %mul3A_56 : vector<96x128xi32>
    %iota3A_58 = tpu.iota {dimensions = array<i32: 1>} : vector<96x128xi32>
    %add3A_59 = arith.addi %mul3A_57, %iota3A_58 : vector<96x128xi32>
    %add3A_60 = vector.broadcast %add3A_54 : i32 to vector<96x128xi32>
    %add3A_61 = arith.addi %add3A_60, %add3A_59 : vector<96x128xi32>
    %lt3A_62 = arith.constant 200000 : i32
    %lt3A_63 = vector.broadcast %lt3A_62 : i32 to vector<96x128xi32>
    %lt3A_64 = arith.cmpi slt, %add3A_61, %lt3A_63 : vector<96x128xi32>
    %get3A_65 = arith.constant 0 : index
    %get3A_66 = arith.constant 0 : index
    %get3A_67 = memref.load %arg3[%get3A_65, %get3A_66] : memref<1x2xf32, #tpu.memory_space<smem>>
    %mul3A_68 = arith.mulf %reshape3A_17, %add3A : vector<96x128xf32>
    %jit3A = arith.constant 0.000000e+00 : f32
    %broadcast_in_dim3A = vector.broadcast %jit3A : f32 to vector<96x128xf32>
    %select_n3A_69 = arith.select %lt3A_64, %mul3A_68, %broadcast_in_dim3A : vector<96x128xi1>, vector<96x128xf32>
    %reduce_sum3A = vector.shape_cast %select_n3A_69 : vector<96x128xf32> to vector<1x96x128xf32>
    %reduce_sum3A_70 = arith.constant dense<0.000000e+00> : vector<1xf32>
    %reduce_sum3A_71 = vector.multi_reduction <add>, %reduce_sum3A, %reduce_sum3A_70 [1, 2] : vector<1x96x128xf32> to vector<1xf32>
    %reduce_sum3A_72 = vector.shape_cast %reduce_sum3A_71 : vector<1xf32> to vector<1x1x1xf32>
    %reduce_sum3A_73 = vector.extract %reduce_sum3A_72[0, 0, 0] : f32 from vector<1x1x1xf32>
    %add3A_74 = arith.addf %get3A_67, %reduce_sum3A_73 : f32
    %swap3A = arith.constant 0 : index
    %swap3A_75 = arith.constant 0 : index
    %swap3A_76 = memref.load %arg3[%swap3A, %swap3A_75] : memref<1x2xf32, #tpu.memory_space<smem>>
    memref.store %add3A_74, %arg3[%swap3A, %swap3A_75] : memref<1x2xf32, #tpu.memory_space<smem>>
    %get3A_77 = arith.constant 0 : index
    %get3A_78 = arith.constant 1 : index
    %get3A_79 = memref.load %arg3[%get3A_77, %get3A_78] : memref<1x2xf32, #tpu.memory_space<smem>>
    %jit3A_80 = arith.constant 0.000000e+00 : f32
    %broadcast_in_dim3A_81 = vector.broadcast %jit3A_80 : f32 to vector<96x128xf32>
    %select_n3A_82 = arith.select %lt3A_64, %reshape3A_17, %broadcast_in_dim3A_81 : vector<96x128xi1>, vector<96x128xf32>
    %reduce_sum3A_83 = vector.shape_cast %select_n3A_82 : vector<96x128xf32> to vector<1x96x128xf32>
    %reduce_sum3A_84 = arith.constant dense<0.000000e+00> : vector<1xf32>
    %reduce_sum3A_85 = vector.multi_reduction <add>, %reduce_sum3A_83, %reduce_sum3A_84 [1, 2] : vector<1x96x128xf32> to vector<1xf32>
    %reduce_sum3A_86 = vector.shape_cast %reduce_sum3A_85 : vector<1xf32> to vector<1x1x1xf32>
    %reduce_sum3A_87 = vector.extract %reduce_sum3A_86[0, 0, 0] : f32 from vector<1x1x1xf32>
    %add3A_88 = arith.addf %get3A_79, %reduce_sum3A_87 : f32
    %swap3A_89 = arith.constant 0 : index
    %swap3A_90 = arith.constant 1 : index
    %swap3A_91 = memref.load %arg3[%swap3A_89, %swap3A_90] : memref<1x2xf32, #tpu.memory_space<smem>>
    memref.store %add3A_88, %arg3[%swap3A_89, %swap3A_90] : memref<1x2xf32, #tpu.memory_space<smem>>
    return
  }
  func.func @transform_0(%arg0: i32) -> (i32, i32, i32) {
    %add3A = arith.constant 10 : i32
    %add3A_0 = arith.addi %add3A, %arg0 : i32
    %c0_i32 = arith.constant 0 : i32
    %c0_i32_1 = arith.constant 0 : i32
    %c0_i32_2 = arith.constant 0 : i32
    return %c0_i32, %c0_i32_1, %add3A_0 : i32, i32, i32
  }
  func.func @transform_1(%arg0: i32) -> (i32, i32, i32) {
    %add3A = arith.constant 10 : i32
    %add3A_0 = arith.addi %add3A, %arg0 : i32
    %c0_i32 = arith.constant 0 : i32
    %c0_i32_1 = arith.constant 0 : i32
    %c0_i32_2 = arith.constant 0 : i32
    return %c0_i32, %c0_i32_1, %add3A_0 : i32, i32, i32
  }
  func.func @transform_2(%arg0: i32) -> (i32, i32) {
    %c0_i32 = arith.constant 0 : i32
    %c0_i32_0 = arith.constant 0 : i32
    %c0_i32_1 = arith.constant 0 : i32
    return %c0_i32, %c0_i32_0 : i32, i32
  }
}

module attributes {stable_mosaic.version = 14 : i64} {
  func.func @body(%arg0: memref<2x32x16xf32, #tpu.memory_space<vmem>>, %arg1: memref<1x2xf32, #tpu.memory_space<smem>>, %arg2: memref<1x1xf32, #tpu.memory_space<smem>>) attributes {dimension_semantics = [], scalar_prefetch = 0 : i64, scratch_operands = 0 : i64, tpu.core_type = #tpu.core_type<tc>} {
    %get3A = arith.constant 0 : index
    %get3A_0 = arith.constant 0 : index
    %get3A_1 = arith.constant 0 : index
    %get3A_2 = vector.load %arg0[%get3A, %get3A_0, %get3A_1] : memref<2x32x16xf32, #tpu.memory_space<vmem>>, vector<1x32x16xf32>
    %get3A_3 = vector.shape_cast %get3A_2 : vector<1x32x16xf32> to vector<32x16xf32>
    %reduce_sum3A = vector.shape_cast %get3A_3 : vector<32x16xf32> to vector<1x32x16xf32>
    %reduce_sum3A_4 = arith.constant dense<0.000000e+00> : vector<1xf32>
    %reduce_sum3A_5 = vector.multi_reduction <add>, %reduce_sum3A, %reduce_sum3A_4 [1, 2] : vector<1x32x16xf32> to vector<1xf32>
    %reduce_sum3A_6 = vector.shape_cast %reduce_sum3A_5 : vector<1xf32> to vector<1x1x1xf32>
    %reduce_sum3A_7 = vector.extract %reduce_sum3A_6[0, 0, 0] : f32 from vector<1x1x1xf32>
    %get3A_8 = arith.constant 0 : index
    %get3A_9 = arith.constant 0 : index
    %get3A_10 = memref.load %arg1[%get3A_8, %get3A_9] : memref<1x2xf32, #tpu.memory_space<smem>>
    %add3A = arith.addf %reduce_sum3A_7, %get3A_10 : f32
    %get3A_11 = arith.constant 1 : index
    %get3A_12 = arith.constant 0 : index
    %get3A_13 = arith.constant 0 : index
    %get3A_14 = vector.load %arg0[%get3A_11, %get3A_12, %get3A_13] : memref<2x32x16xf32, #tpu.memory_space<vmem>>, vector<1x32x16xf32>
    %get3A_15 = vector.shape_cast %get3A_14 : vector<1x32x16xf32> to vector<32x16xf32>
    %reduce_sum3A_16 = vector.shape_cast %get3A_15 : vector<32x16xf32> to vector<1x32x16xf32>
    %reduce_sum3A_17 = arith.constant dense<0.000000e+00> : vector<1xf32>
    %reduce_sum3A_18 = vector.multi_reduction <add>, %reduce_sum3A_16, %reduce_sum3A_17 [1, 2] : vector<1x32x16xf32> to vector<1xf32>
    %reduce_sum3A_19 = vector.shape_cast %reduce_sum3A_18 : vector<1xf32> to vector<1x1x1xf32>
    %reduce_sum3A_20 = vector.extract %reduce_sum3A_19[0, 0, 0] : f32 from vector<1x1x1xf32>
    %get3A_21 = arith.constant 0 : index
    %get3A_22 = arith.constant 1 : index
    %get3A_23 = memref.load %arg1[%get3A_21, %get3A_22] : memref<1x2xf32, #tpu.memory_space<smem>>
    %add3A_24 = arith.addf %reduce_sum3A_20, %get3A_23 : f32
    %gt3A = arith.constant 0.000000e+00 : f32
    %gt3A_25 = arith.cmpf ogt, %add3A_24, %gt3A : f32
    %max3A = arith.constant 1.000000e+00 : f32
    %max3A_26 = arith.maximumf %add3A_24, %max3A : f32
    %div3A = arith.divf %add3A, %max3A_26 : f32
    %jit3A = arith.constant 0.000000e+00 : f32
    %select_n3A = arith.select %gt3A_25, %div3A, %jit3A : f32
    %swap3A = arith.constant 0 : index
    %swap3A_27 = arith.constant 0 : index
    %swap3A_28 = memref.load %arg2[%swap3A, %swap3A_27] : memref<1x1xf32, #tpu.memory_space<smem>>
    memref.store %select_n3A, %arg2[%swap3A, %swap3A_27] : memref<1x1xf32, #tpu.memory_space<smem>>
    return
  }
}

</mosaic_0001>

<sc_bundles>
// kernel: kernel.5.cloned.1.call-start
scs
__scs_entry_jumppad:
0x0: {  	(pc) =	sbr.rel $0x88, $3  }
0x1: {  	(tag) =	ssettag $0x0;
	lr =	simm.s32 $0x1  }
0x2: {  	[smem:$0x3F9F] =	sst lr;
	_ =	strace $0xD0000000  }
0x3: {  	_ = 	snop  }
0x4: {  	_ = 	snop  }
0x5: {  	_ = 	snop  }
0x6: {  	_ = 	snop  }
0x7: {  	_ = 	snop  }
__scs_overlays_trampoline_lowered:
0x8: {  	[smem:$0x3FAE] =	sst s0  }
0x9: {  	[smem:$0x3FAF] =	sst s1  }
0xa: {  	[smem:$0x3FB0] =	sst s2  }
0xb: {  	[smem:$0x3FB1] =	sst s3  }
0xc: {  	[smem:$0x3FB2] =	sst s4  }
0xd: {  	[smem:$0x3FB3] =	sst s5  }
0xe: {  	[smem:$0x3FB4] =	sst s6  }
0xf: {  	[smem:$0x3FB5] =	sst s7  }
0x10: {  	[smem:$0x3FB6] =	sst s8  }
0x11: {  	[smem:$0x3FB7] =	sst s9;
	s0 =	simm.s32 @!p0 $0x0  }
0x12: {  	s1 =	sld [smem:$0x3F9D];
	s0 =	simm.s32 @p0 $0x1  }
0x13: {  	[smem:$0x3FB8] =	sst s0;
	s0 =	simm.s32 @!p1 $0x0  }
0x14: {  	s2 =	sld [smem:$0x3F9C];
	s0 =	simm.s32 @p1 $0x1  }
0x15: {  	[smem:$0x3FB9] =	sst s0;
	s0 =	simm.s32 @!p2 $0x0  }
0x16: {  	s3 =	sld [smem:$0x3FDB];
	s0 =	simm.s32 @p2 $0x1  }
0x17: {  	s4 =	simm.s32 $0x1BF5;
	[smem:$0x3FBB] =	sst s0  }
0x18: {  	s0 =	sld [smem:$0x3F9E];
	_ =	swait.ge [sflag:s4], $0x0  }
0x19: {  	s7 =	sld [smem:$0x3F9F]  }
0x1a: {  	s8 =	sadd.s32 $0xFFFFE003, lr  }
0x1b: {  	s9 =	sadd.s32 $0xFFFFFEF7, lr;
	s5 =	simm.s32 $0xFFFFFFFF;
	p2 =	slt.u32 s8, $0xFFFFF086  }
0x1c: {  	p1 =	slt.u32 s9, $0xF7A;
	s5 =	simm.s32 @!p2 $0x0  }
0x1d: {  	s5 =	simm.s32 @p1 $0x1;
	p0 =	seq.s32 s7, s2  }
0x1e: {  	s7 =	smul.u32 @!p0 $0xF7A, s2;
	p2 =	seq.s32 @!p0 s5, $0x0  }
0x1f: {  	s9 =	smul.u32 $0xF7A, s1;
	s8 =	simm.s32 @!p0 $0x1BF5;
	p2 =	por !p2, p0  }
0x20: {  	[sflag:s8] =	ssyncset.s32 @!p0 $0xFFFFF086;
	s6 =	sadd.s32 @!p0 s3, s7;
	s7 =	simm.s32 @!p0 $0x108  }
0x21: {  	s3 =	sadd.s32 s3, s9;
	s6 =	sadd.s32 @!p0 $0x88, s6;
	s7 =	simm.s32 @p2 $0x1082  }
0x22: {  	[simem:s7], [sflag:s8] =	dma.local @!p0 [hbm:s6], $0xF7A  }
0x23: {  	s9 =	sor.u32 $0xD0000000, s2;
	s6 =	simm.s32 $0x108;
	_ =	swait.ge @!p0 [sflag:s8], $0x0  }
0x24: {  	s3 =	sadd.s32 $0x88, s3;
	s6 =	simm.s32 @!p1 $0x1082;
	[sflag:s4] =	ssyncset.s32 $0xFFFFF086  }
0x25: {  	[simem:s6], [sflag:s4] =	dma.local [hbm:s3], $0xF7A  }
0x26: {  	[smem:$0x3F9F] =	sst s1;
	(tag) =	ssettag s2;
	_ =	strace s9  }
0x27: {  	s1 =	sld [smem:$0x3FAF]  }
0x28: {  	s2 =	sld [smem:$0x3FB0]  }
0x29: {  	s4 =	sld [smem:$0x3FB2]  }
0x2a: {  	p0 =	seq.s32 s5, $0x0;
	s5 =	sld [smem:$0x3FB3]  }
0x2b: {  	s6 =	sld [smem:$0x3FB4]  }
0x2c: {  	s7 =	sld [smem:$0x3FB5]  }
0x2d: {  	s3 =	simm.s32 $0x108;
	s8 =	sld [smem:$0x3FB6]  }
0x2e: {  	s3 =	simm.s32 @!p0 $0x1082;
	s9 =	sld [smem:$0x3FB7]  }
0x2f: {  	lr =	sadd.s32 s0, s3;
	s0 =	sld [smem:$0x3FAE]  }
0x30: {  	s3 =	sld [smem:$0x3FB1]  }
0x31: {  	[smem:$0x3FBA] =	sst s10  }
0x32: {  	s10 =	sld [smem:$0x3FB8];
	_ =	sdelay $0x3  }
0x33: {  	p0 =	seq.s32 s10, $0x1;
	s10 =	sld [smem:$0x3FBA];
	_ =	sdelay $0x3  }
0x34: {  	[smem:$0x3FBA] =	sst s10  }
0x35: {  	s10 =	sld [smem:$0x3FB9];
	_ =	sdelay $0x3  }
0x36: {  	p1 =	seq.s32 s10, $0x1;
	s10 =	sld [smem:$0x3FBA];
	_ =	sdelay $0x3  }
0x37: {  	[smem:$0x3FBA] =	sst s10  }
0x38: {  	s10 =	sld [smem:$0x3FBB]  }
0x39: {  	_ = 	snop;
	(pc) =	sbr.ind lr, $3  }
0x3a: {  	_ = 	snop  }
0x3b: {  	_ = 	snop  }
0x3c: {  	p2 =	seq.s32 s10, $0x1;
	s10 =	sld [smem:$0x3FBA]  }
0x3d: {  	_ =	shalt  }
0x3e: {  	_ =	shalt  }
0x3f: {  	_ =	shalt  }
0x40: {  	_ =	shalt  }
0x41: {  	_ =	shalt  }
0x42: {  	_ =	shalt  }
0x43: {  	_ =	shalt  }
0x44: {  	_ =	shalt  }
0x45: {  	_ =	shalt  }
0x46: {  	_ =	shalt  }
0x47: {  	_ =	shalt  }
0x48: {  	_ =	shalt  }
0x49: {  	_ =	shalt  }
0x4a: {  	_ =	shalt  }
0x4b: {  	_ =	shalt  }
0x4c: {  	_ =	shalt  }
0x4d: {  	_ =	shalt  }
0x4e: {  	_ =	shalt  }
0x4f: {  	_ =	shalt  }
0x50: {  	_ =	shalt  }
0x51: {  	_ =	shalt  }
0x52: {  	_ =	shalt  }
0x53: {  	_ =	shalt  }
0x54: {  	_ =	shalt  }
0x55: {  	_ =	shalt  }
0x56: {  	_ =	shalt  }
0x57: {  	_ =	shalt  }
0x58: {  	_ =	shalt  }
0x59: {  	_ =	shalt  }
0x5a: {  	_ =	shalt  }
0x5b: {  	_ =	shalt  }
0x5c: {  	_ =	shalt  }
0x5d: {  	_ =	shalt  }
0x5e: {  	_ =	shalt  }
0x5f: {  	_ =	shalt  }
0x60: {  	_ =	shalt  }
0x61: {  	_ =	shalt  }
0x62: {  	_ =	shalt  }
0x63: {  	_ =	shalt  }
0x64: {  	_ =	shalt  }
0x65: {  	_ =	shalt  }
0x66: {  	_ =	shalt  }
0x67: {  	_ =	shalt  }
0x68: {  	_ =	shalt  }
0x69: {  	_ =	shalt  }
0x6a: {  	_ =	shalt  }
0x6b: {  	_ =	shalt  }
0x6c: {  	_ =	shalt  }
0x6d: {  	_ =	shalt  }
0x6e: {  	_ =	shalt  }
0x6f: {  	_ =	shalt  }
0x70: {  	_ =	shalt  }
0x71: {  	_ =	shalt  }
0x72: {  	_ =	shalt  }
0x73: {  	_ =	shalt  }
0x74: {  	_ =	shalt  }
0x75: {  	_ =	shalt  }
0x76: {  	_ =	shalt  }
0x77: {  	_ =	shalt  }
0x78: {  	_ =	shalt  }
0x79: {  	_ =	shalt  }
0x7a: {  	_ =	shalt  }
0x7b: {  	_ =	shalt  }
0x7c: {  	_ =	shalt  }
0x7d: {  	_ =	shalt  }
0x7e: {  	_ =	shalt  }
0x7f: {  	_ =	shalt  }
0x80: {  	_ =	shalt  }
0x81: {  	_ =	shalt  }
0x82: {  	_ =	shalt  }
0x83: {  	_ =	shalt  }
0x84: {  	_ =	shalt  }
0x85: {  	_ =	shalt  }
0x86: {  	_ =	shalt  }
0x87: {  	_ =	shalt  }
.Lfunc_end0:
.L_simem_size_0:
called_computation_lowered:
.L_overlay_start_0:
0x88: {  	s2 =	sld [smem:$0x3FD9]  }
0x89: {  	s3 =	sld [smem:$0x3FFE];
	_ =	sdelay $0x1  }
0x8a: {  	s1 =	srdreg.scid  }
0x8b: {  	s0 =	sand.u32 $0x1, s1  }
0x8c: {  	s17 =	sshll.u32 s0, $0xA;
	s2 =	sadd.s32 s3, s2  }
0x8d: {  	s2 =	sadd.s32 s2, s17  }
0x8e: {  	[smem:$0x3FC6] =	sst s2  }
0x8f: {  	_ = 	snop  }
0x90: {  	s2 =	sld [smem:$0x3FC9]  }
0x91: {  	s18 =	sld [smem:$0x3FC8];
	(tm) =	ssettm $0x1  }
0x92: {  	s4 =	sld [smem:$0x3FFB];
	_ =	sdelay $0x3  }
0x93: {  	_ =	strace s4  }
0x94: {  	s4 =	sld [smem:$0x3FFC];
	_ =	sdelay $0x3  }
0x95: {  	_ =	strace s4  }
0x96: {  	s4 =	sld [smem:$0x3FFD];
	_ =	sdelay $0x3  }
0x97: {  	_ =	strace s4  }
0x98: {  	_ =	strace $0x8FFFFFFF  }
0x99: {  	s19 =	sld [smem:$0x3FDB];
	_ =	sdelay $0x1  }
0x9a: {  	s5 =	simm.s32 $_scs_section_size  }
0x9b: {  	s6 =	simm.s32 $_size__tile_overlayer_lowered;
	s7 =	simm.s32 $_tile_overlayer_lowered  }
0x9c: {  	s22 =	simm.s32 $0x1BFF;
	s21 =	sshll.u32 s7, $0x1;
	s4 =	sadd.s32 s5, s19  }
0x9d: {  	s8 =	simm.s32 $0x0;
	s20 =	sshll.u32 s6, $0x1;
	s6 =	sadd.s32 s21, s4  }
0x9e: {  	[timem:s8], [sflag:s22] =	dma.local [hbm:s6], s20  }
0x9f: {  	_ =	swait.ge [sflag:s22], s20  }
0xa0: {  	s5 =	ssub.s32 $0x0, s20;
	[sflag:s22] =	ssyncset.done $0x0  }
0xa1: {  	[sflag:s22] =	ssyncadd.s32 s5;
	_ =	sdelay $0x1  }
0xa2: {  	s23 =	simm.s32 $0x1B8B  }
0xa3: {  	_ =	swait.ge [sflag:s23], $0x1  }
0xa4: {  	[sflag:s23] =	ssyncset.done $0x0  }
0xa5: {  	s25 =	simm.s32 $0x1B8E;
	s24 =	sld [smem:$0x3FFE];
	[sflag:s23] =	ssyncadd.s32 $0xFFFFFFFF  }
0xa6: {  	s26 =	simm.s32 $execute0_lowered;
	[smem:$0x3FD2] =	sst s25  }
0xa7: {  	s6 =	sshll.u32 s26, $0x1;
	_ =	strace $0x80000046;
	[dreg:$0x1] =	wrdreg $0xFFFFFFFF  }
0xa8: {  	s28 =	simm.s32 $_size_execute0_lowered;
	s4 =	sadd.s32 s4, s6;
	[dreg:$0x0] =	wrdreg $0x0  }
0xa9: {  	s6 =	sshll.u32 s28, $0x1;
	[dreg:$0x2] =	wrdreg s4  }
0xaa: {  	[dreg:$0x3] =	wrdreg s6  }
0xab: {  	[dreg:$0x4] =	wrdreg $0xC0  }
0xac: {  	_ =	task [dreg:s8], $0x5FFFF  }
0xad: {  	[dreg:$0x1] =	wrdreg $0xFFFFFFFF  }
0xae: {  	[dreg:$0x0] =	wrdreg $0x60  }
0xaf: {  	[dreg:$0x2] =	wrdreg s2  }
0xb0: {  	[dreg:$0x3] =	wrdreg s18  }
0xb1: {  	[dreg:$0x4] =	wrdreg s24  }
0xb2: {  	[dreg:$0x5] =	wrdreg $0x9  }
0xb3: {  	_ =	task.clear_ibuf [dreg:s8], $0x6FFFF;
	_ =	strace $0x90000046  }
0xb4: {  	s29 =	simm.s32 $0x9;
	_ =	strace $0x80000048  }
0xb5: {  	_ =	swait.ge [sflag:s29], $0x1  }
0xb6: {  	[sflag:s29] =	ssyncadd.s32 $0xFFFFFFFF  }
0xb7: {  	_ =	strace $0x90000048  }
0xb8: {  	_ =	sfence  }
0xb9: {  	s30 =	sld [smem:$0x0];
	_ =	sdelay $0x2  }
0xba: {  	s31 =	sshll.u32 s1, $0xD;
	s1 =	sshrl.u32 s1, $0x2  }
0xbb: {  	s3 =	sand.u32 $0x4000, s31;
	s1 =	sadd.s32 s1, s30  }
0xbc: {  	s0 =	sor.u32 s3, s0;
	s1 =	sshll.u32 s1, $0x11  }
0xbd: {  	s0 =	sor.u32 s1, s0  }
0xbe: {  	s0 =	sadd.s32 $0x8F2B, s0  }
0xbf: {  	[sflag:s0] =	ssyncadd.remote.s32 $0x1  }
0xc0: {  	_ =	sfence.sel $0xFFFF  }
0xc1: {  	[dreg:$0x0] =	wrdreg $0xFFFFFFFF;
	(pc) =	sbr.abs _section_cstart, $3  }
0xc2: {  	[dreg:$0x1] =	wrdreg $0xFFFFFFFF  }
0xc3: {  	_ =	task.clear_ibuf [dreg:s8], $0x2FFFF;
	_ =	strace $0x9FFFFFFF  }
0xc4: {  	(tm) =	ssettm $0x7FFFFFFF  }
0xc5: {  	_ =	shalt  }
tec
execute0_lowered:
.L_overlay_start_1:
0x0: {  	(tag) =	ssettag $0x1  }
0x1: {  	s4 =	rddreg [dreg:$0x0]  }
0x2: {  	s3 =	rddreg [dreg:$0x1];
	s1 =	srdreg.scid  }
0x3: {  	s0 =	stileid.u32;
	s5 =	rddreg [dreg:$0x2]  }
0x4: {  	s2 =	simm.s32 $0x0;
	s11 =	simm.s32 $0x4B00;
	s12 =	simm.s32 $0x2  }
0x5: {  	s13 =	simm.s32 $0x4B80;
	s6 =	sand.u32 $0x1, s1;
	s7 =	sshll.u32 s0, $0x1  }
0x6: {  	s14 =	simm.s32 $0x0;
	s1 =	rddreg [dreg:$0x3];
	s7 =	sor.u32 s6, s7  }
0x7: {  	[smem:$0x7FF] =	sst s2;
	s6 =	ssub.s32 $0x2, s6;
	s8 =	smul.u32 $0xF00, s7  }
0x8: {  	s9 =	sshll.u32 s7, $0x4;
	s7 =	smul.u32 $0x3C0, s7;
	s31 =	sshrl.u32 s6, $0x1  }
0x9: {  	_ =	strace $0x80000047;
	s9 =	sadd.s32 s9, s5;
	s10 =	ssub.s32 s6, s31  }
0xa: {  	s8 =	sshrl.u32 s8, $0x3;
	s4 =	sadd.s32 s4, s7;
	s7 =	sadd.s32 $0xA00, s9  }
0xb: {  	s3 =	sadd.s32 s3, s8;
	s8 =	sadd.s32 $0xC00, s9;
	s9 =	smax.u32 s10, $0x1  }
0xc: {  	s10 =	simm.s32 $0x1;
	s5 =	sadd.s32 $0x61B0, s3;
	s6 =	sadd.s32 $0xC360, s3  }
.LBB2_1:
0xd: {  	[tilespmem:s2], [sflag:$0x1] =	stream.linear.gather [hbm4b:s4+s2], $0x1E00, $0x38;
	[tilespmem:$0x4C00] =	vst v63  }
0xe: {  	s15 =	simm.s32 $0x1E00  }
0xf: {  	[tilespmem:s15], [sflag:$0x1] =	stream.linear.gather [hbm4b:s3+s2], $0xF00, $0x38;
	[tilespmem:$0x4C00] =	vst v63  }
0x10: {  	s16 =	simm.s32 $0x2D00  }
0x11: {  	[tilespmem:s16], [sflag:$0x1] =	stream.linear.gather [hbm4b:s5+s2], $0xF00, $0x38;
	[tilespmem:$0x4C00] =	vst v63  }
0x12: {  	s17 =	simm.s32 $0x3C00  }
0x13: {  	[tilespmem:s17], [sflag:$0x1] =	stream.linear.gather [hbm4b:s6+s2], $0xF00, $0x38;
	[tilespmem:$0x4C00] =	vst v63  }
0x14: {  	_ =	swait.ge [sflag:s10], $0x1E00  }
0x15: {  	[sflag:s10] =	ssyncset.done $0x0  }
0x16: {  	[sflag:s10] =	ssyncadd.s32 $0xFFFFE200  }
0x17: {  	_ =	swait.ge [sflag:s10], $0xF00  }
0x18: {  	[sflag:s10] =	ssyncset.done $0x0  }
0x19: {  	[sflag:s10] =	ssyncadd.s32 $0xFFFFF100  }
0x1a: {  	_ =	swait.ge [sflag:s10], $0xF00  }
0x1b: {  	[sflag:s10] =	ssyncset.done $0x0  }
0x1c: {  	[sflag:s10] =	ssyncadd.s32 $0xFFFFF100  }
0x1d: {  	_ =	swait.ge [sflag:s10], $0xF00  }
0x1e: {  	[sflag:s10] =	ssyncset.done $0x0  }
0x1f: {  	[sflag:s10] =	ssyncadd.s32 $0xFFFFF100  }
0x20: {  	s18 =	sand.u32 $0x70, s2;
	s22 =	sand.u32 $0x1F00, s2;
	v0 =	vld [tilespmem:s16+$0x0]  }
0x21: {  	v1 =	vld [tilespmem:s17+$0x0];
	s16 =	sor.u32 s18, s22  }
0x22: {  	v2 =	vld [tilespmem:s16+$0x0]  }
0x23: {  	v3 =	vld [tilespmem:s16+$0x80]  }
0x24: {  	s23 =	simm.s32 $0x10;
	s24 =	simm.s32 $0x20  }
0x25: {  	s25 =	simm.s32 $0x2D10;
	s17 =	sand.u32 $0x1F00, s24;
	s16 =	sand.u32 $0x70, s23  }
0x26: {  	v5 =	vld [tilespmem:s25+$0x0];
	s16 =	sor.u32 s16, s17  }
0x27: {  	s26 =	simm.s32 $0x3C10;
	v6 =	vld [tilespmem:s16+$0x0]  }
0x28: {  	v9 =	vld [tilespmem:s26+$0x0];
	v0 =	vsub.f32 v0, v2;
	v1 =	vsub.f32 v1, v3  }
0x29: {  	v2 =	vld [tilespmem:s16+$0x80]  }
0x2a: {  	s28 =	simm.s32 $0x20;
	s29 =	simm.s32 $0x40;
	s30 =	simm.s32 $0x2D20;
	v3 =	vld [tilespmem:s15+$0x0];
	v10 =	vand.u32 $0x7FFFFFFF, v0;
	v1 =	vand.u32 $0x7FFFFFFF, v1  }
0x2b: {  	s31 =	sand.u32 $0x70, s28;
	v8 =	vld [tilespmem:s30+$0x0];
	s17 =	sand.u32 $0x1F00, s29;
	s16 =	simm.s32 $0x3C20;
	v11 =	vmul.f32 $4.500000000e+00, v10;
	v12 =	vmul.f32 $4.500000000e+00, v1  }
0x2c: {  	s15 =	sor.u32 s31, s17;
	v4 =	vld [tilespmem:s16+$0x0];
	v0 =	vimm.f32 $0.0e+00;
	v7 =	vsub.f32 v5, v6;
	v13 =	vadd.f32 $-5.555555600e-02, v10  }
0x2d: {  	v5 =	vld [tilespmem:s15+$0x0];
	v14 =	vadd.f32 $-5.555555600e-02, v1;
	v11 =	vmul.f32 v11, v10;
	v12 =	vmul.f32 v12, v1  }
0x2e: {  	v6 =	vld [tilespmem:s15+$0x80];
	s15 =	simm.s32 $0x1E10;
	vm0 =	vlt.f32 v10, $1.111111120e-01;
	vm1 =	vlt.f32 v1, $1.111111120e-01;
	v9 =	vsub.f32 v9, v2  }
0x2f: {  	s19 =	simm.s32 $0x2D30;
	s18 =	simm.s32 $0x60;
	s17 =	simm.s32 $0x30;
	v2 =	vld [tilespmem:s15+$0x0];
	v1 =	vadd.f32 v3, v0;
	v10 =	vsel vm0, v11, v13;
	v11 =	vsel vm1, v12, v14  }
.LBB2_2:
0x30: {  	s20 =	sand.u32 $0x70, s17  }
0x31: {  	v12 =	vld [tilespmem:s19+$0x0];
	s21 =	sand.u32 $0x1F00, s18;
	s16 =	sadd.s32 $0x10, s16;
	v13 =	vand.u32 $0x7FFFFFFF, v7;
	v14 =	vand.u32 $0x7FFFFFFF, v9;
	v10 =	vadd.f32 v11, v10;
	v9 =	vmovc v4;
	p0 =	sne.s32 s17, $0xEF0  }
.Ltmp0:
0x32: {  	v4 =	vld [tilespmem:s16+$0x0];
	s20 =	sor.u32 s20, s21;
	v7 =	vsub.f32 v8, v5;
	v8 =	vmul.f32 $4.500000000e+00, v13;
	v11 =	vmul.f32 $4.500000000e+00, v14;
	(pc) =	sbr.rel @p0 .LBB2_2-.Ltmp0, $4  }
0x33: {  	v15 =	vadd.f32 $-5.555555600e-02, v13;
	v5 =	vld [tilespmem:s20+$0x0];
	v9 =	vsub.f32 v9, v6;
	v10 =	vmul.f32 v10, v3  }
0x34: {  	s17 =	sadd.s32 $0x10, s17;
	v16 =	vadd.f32 $-5.555555600e-02, v14;
	v6 =	vld [tilespmem:s20+$0x80];
	v17 =	vmul.f32 v8, v13;
	v11 =	vmul.f32 v11, v14  }
0x35: {  	s15 =	sadd.s32 $0x10, s15;
	vm0 =	vlt.f32 v13, $1.111111120e-01;
	vm1 =	vlt.f32 v14, $1.111111120e-01;
	v0 =	vadd.f32 v10, v0;
	v3 =	vmovc v2  }
0x36: {  	s18 =	sadd.s32 $0x20, s18;
	s19 =	sadd.s32 $0x10, s19;
	v2 =	vld [tilespmem:s15+$0x0];
	v10 =	vsel vm0, v17, v15;
	v11 =	vsel vm1, v11, v16;
	v1 =	vadd.f32 v3, v1;
	v8 =	vmovc v12  }
0x37: {  	v7 =	vand.u32 $0x7FFFFFFF, v7;
	v9 =	vand.u32 $0x7FFFFFFF, v9;
	v10 =	vadd.f32 v11, v10  }
0x38: {  	v12 =	vmul.f32 $4.500000000e+00, v7;
	v5 =	vsub.f32 v8, v5;
	v52 =	vadd.f32 $-5.555555600e-02, v7  }
0x39: {  	v51 =	vmul.f32 $4.500000000e+00, v9;
	v54 =	vadd.f32 $-5.555555600e-02, v9;
	v4 =	vsub.f32 v4, v6  }
0x3a: {  	vm0 =	vlt.f32 v7, $1.111111120e-01;
	v3 =	vmul.f32 v10, v3;
	v53 =	vmul.f32 v12, v7  }
0x3b: {  	v8 =	vmul.f32 v51, v9;
	v5 =	vand.u32 $0x7FFFFFFF, v5;
	v4 =	vand.u32 $0x7FFFFFFF, v4  }
0x3c: {  	vm1 =	vlt.f32 v9, $1.111111120e-01;
	v55 =	vmul.f32 $4.500000000e+00, v5;
	v56 =	vmul.f32 $4.500000000e+00, v4  }
0x3d: {  	s15 =	sadd.s32 $0x10, s15;
	v57 =	vadd.f32 $-5.555555600e-02, v5;
	v6 =	vsel vm0, v53, v52;
	v8 =	vsel vm1, v8, v54  }
0x3e: {  	v58 =	vld [tilespmem:s15+$0x0];
	v59 =	vadd.f32 $-5.555555600e-02, v4;
	v7 =	vmul.f32 v55, v5;
	v9 =	vmul.f32 v56, v4  }
0x3f: {  	vm14 =	vlt.f32 v5, $1.111111120e-01;
	vm15 =	vlt.f32 v4, $1.111111120e-01;
	v6 =	vadd.f32 v8, v6  }
0x40: {  	v60 =	vsel vm14, v7, v57;
	v61 =	vsel vm15, v9, v59  }
0x41: {  	v0 =	vadd.f32 v3, v0;
	v62 =	vmul.f32 v6, v2;
	v4 =	vadd.f32 v61, v60  }
0x42: {  	v1 =	vadd.f32 v2, v1  }
0x43: {  	v0 =	vadd.f32 v62, v0;
	v63 =	vmul.f32 v4, v58  }
0x44: {  	v1 =	vadd.f32 v58, v1  }
0x45: {  	v0 =	vadd.f32 v63, v0  }
0x46: {  	[tilespmem:$0x4B80] =	vst v1  }
0x47: {  	[tilespmem:$0x4B00] =	vst v0  }
0x48: {  	[hbm4b:s7+s2] =	stream.linear.scatter [tilespmem:s11], [sflag:$0x2], $0x80, $0x38;
	[tilespmem:$0x4C00] =	vst v63  }
0x49: {  	s14 =	sadd.s32 $0x1, s14;
	_ =	swait.ge [sflag:s12], $0x80  }
0x4a: {  	p0 =	sne.s32 s14, s9;
	[sflag:s12] =	ssyncset.done $0x0  }
.Ltmp1:
0x4b: {  	[sflag:s12] =	ssyncadd.s32 $0xFFFFFF80;
	(pc) =	sbr.rel @p0 .LBB2_1-.Ltmp1, $4  }
0x4c: {  	[hbm4b:s8+s2] =	stream.linear.scatter [tilespmem:s13], [sflag:$0x2], $0x80, $0x38;
	[tilespmem:$0x4C00] =	vst v63  }
0x4d: {  	_ =	swait.ge [sflag:s12], $0x80  }
0x4e: {  	[sflag:s12] =	ssyncset.done $0x0  }
0x4f: {  	[sflag:s12] =	ssyncadd.s32 $0xFFFFFF80  }
0x50: {  	_ =	sfence.sel $0x180000  }
0x51: {  	[bflag:$0x0] =	sbarrier.arrive $0xFFFF  }
0x52: {  	p0 =	sne.s32 s0, $0x0;
	_ =	strace $0x90000047  }
0x53: {  	s0 =	sadd.s32 @!p0 $0x100000, s1;
	[bflag:$0x2] =	sbarrier.arrive $0xFFFF  }
0x54: {  	[sflag:s0] =	ssyncadd.tile.s32 @!p0 $0x1;
	_ =	shalt  }
.Lfunc_end2:
_tile_overlayer_lowered:
.L_overlay_start_2:
0x55: {  	(tag) =	ssettag $0x2  }
0x56: {  	s0 =	rddreg [dreg:$0x0];
	s2 =	stileid.u32  }
0x57: {  	s1 =	rddreg [dreg:$0x1];
	p0 =	sne.s32 s2, $0x0  }
0x58: {  	s3 =	rddreg [dreg:$0x2];
	[bflag:$0x3] =	sbarrier.arrive $0xFFFF;
	s2 =	simm.s32 @!p0 $0x1C02  }
0x59: {  	[timem:s3], [sflag:s2] =	dma.local @!p0 [hbm:s0], s1  }
0x5a: {  	s0 =	simm.s32 @!p0 $0x2  }
0x5b: {  	_ =	swait.ge @!p0 [sflag:s0], s1  }
0x5c: {  	s1 =	ssub.s32 @!p0 $0x0, s1;
	[sflag:s0] =	ssyncset.done @!p0 $0x0  }
0x5d: {  	[sflag:s0] =	ssyncadd.s32 @!p0 s1  }
0x5e: {  	[bflag:$0x3] =	sbarrier.arrive $0xFFFF  }
0x5f: {  	_ =	shalt  }

</sc_bundles>
